<compile_context>
chip_gen: v7x
topology: tpu7x:2x2x1
jax: 0.10.2.dev20260603
libtpu: 0.0.44.dev20260713+nightly
codegen_flags: <defaults>
</compile_context>

<pallas_src>
import functools

import jax
import jax.numpy as jnp
from jax import lax
from jax.experimental import pallas as pl
from jax.experimental.pallas import tpu as pltpu
from jax.experimental.pallas import tpu_sc as plsc

_LN2 = 0.6931471805599453


def _ssp(v):
    return jnp.maximum(v, 0.0) + jnp.log1p(jnp.exp(-jnp.abs(v))) - _LN2


def _stage1_body(AT, x_ref, w_ref, nbt_ref, y_ref, gidx_ref):
    b = pl.program_id(0)
    y_ref[0] = jnp.dot(x_ref[0].astype(jnp.bfloat16), w_ref[...],
                       preferred_element_type=jnp.float32)
    gidx_ref[0] = nbt_ref[0].T + b * AT


def _main_body(A_T, NBR, f_ref, mk_ref, x_ref, ynbr_ref,
               wf1_ref, bf1_ref, wf2_ref, bf2_ref, wfo_ref, bfo_ref,
               wd_ref, bd_ref, o_ref):
    E = A_T * NBR
    F = wf1_ref.shape[1]
    f = f_ref[0].reshape(E, -1).astype(jnp.bfloat16)
    h = jnp.dot(f, wf1_ref[...],
                preferred_element_type=jnp.float32).astype(jnp.bfloat16)
    h = _ssp(h + bf1_ref[...])
    w = jnp.dot(h, wf2_ref[...], preferred_element_type=jnp.float32)
    w = w + bf2_ref[...]
    z = w * ynbr_ref[0, 0]
    z = z.reshape(A_T, NBR, F) * mk_ref[0][:, :, None]
    agg = z.sum(axis=1)
    v = _ssp(jnp.dot(agg.astype(jnp.bfloat16), wfo_ref[...],
                     preferred_element_type=jnp.float32) + bfo_ref[...])
    out = jnp.dot(v.astype(jnp.bfloat16), wd_ref[...],
                  preferred_element_type=jnp.float32)
    o_ref[0] = out + bd_ref[...] + x_ref[0]


def _make_sc_gather(rows, F):
    info = plsc.get_sparse_core_info()
    nw = info.num_cores * info.num_subcores
    per_w = rows // nw
    chunk = 128
    nch = per_w // chunk
    mesh = plsc.VectorSubcoreMesh(core_axis_name="c", subcore_axis_name="s")

    @functools.partial(
        pl.kernel, mesh=mesh,
        out_type=jax.ShapeDtypeStruct((rows, F), jnp.float32),
        scratch_types=[
            pltpu.VMEM((chunk,), jnp.int32),
            pltpu.VMEM((chunk, F), jnp.float32),
            pltpu.SemaphoreType.DMA,
        ],
    )
    def gather_k(table_hbm, idx_hbm, out_hbm, idx_v, rows_v, sem):
        wid = lax.axis_index("s") * info.num_cores + lax.axis_index("c")
        base = wid * per_w

        def body(i, carry):
            off = base + i * chunk
            pltpu.sync_copy(idx_hbm.at[pl.ds(off, chunk)], idx_v)
            pltpu.async_copy(table_hbm.at[idx_v], rows_v, sem).wait()
            pltpu.sync_copy(rows_v, out_hbm.at[pl.ds(off, chunk)])
            return carry

        lax.fori_loop(0, nch, body, 0)

    return gather_k


def kernel(x, f_double, neighbors, neighbor_mask, Wf1, bf1, Wf2, bf2,
           W_in2f, W_f2out, b_f2out, W_dense, b_dense):
    B, AT, NBR = neighbors.shape
    G = f_double.shape[-1]
    F = Wf1.shape[1]
    NAB = x.shape[-1]
    A_T = 32
    nT = AT // A_T
    E = A_T * NBR
    ROWS = B * AT * NBR

    nbt = jnp.transpose(neighbors, (0, 2, 1))

    y, gidx = pl.pallas_call(
        functools.partial(_stage1_body, AT),
        grid=(B,),
        in_specs=[
            pl.BlockSpec((1, AT, NAB), lambda b: (b, 0, 0)),
            pl.BlockSpec((NAB, F), lambda b: (0, 0)),
            pl.BlockSpec((1, NBR, AT), lambda b: (b, 0, 0)),
        ],
        out_specs=[
            pl.BlockSpec((1, AT, F), lambda b: (b, 0, 0)),
            pl.BlockSpec((1, AT, NBR), lambda b: (b, 0, 0)),
        ],
        out_shape=[
            jax.ShapeDtypeStruct((B, AT, F), jnp.float32),
            jax.ShapeDtypeStruct((B, AT, NBR), jnp.int32),
        ],
    )(x, W_in2f.astype(jnp.bfloat16), nbt)

    y_nbr = _make_sc_gather(ROWS, F)(
        y.reshape(B * AT, F), gidx.reshape(ROWS))
    ynbr4 = y_nbr.reshape(B, nT, E, F)

    out = pl.pallas_call(
        functools.partial(_main_body, A_T, NBR),
        grid=(B, nT),
        in_specs=[
            pl.BlockSpec((1, A_T, NBR, G), lambda b, t: (b, t, 0, 0)),
            pl.BlockSpec((1, A_T, NBR), lambda b, t: (b, t, 0)),
            pl.BlockSpec((1, A_T, NAB), lambda b, t: (b, t, 0)),
            pl.BlockSpec((1, 1, E, F), lambda b, t: (b, t, 0, 0)),
            pl.BlockSpec((G, F), lambda b, t: (0, 0)),
            pl.BlockSpec((1, F), lambda b, t: (0, 0)),
            pl.BlockSpec((F, F), lambda b, t: (0, 0)),
            pl.BlockSpec((1, F), lambda b, t: (0, 0)),
            pl.BlockSpec((F, NAB), lambda b, t: (0, 0)),
            pl.BlockSpec((1, NAB), lambda b, t: (0, 0)),
            pl.BlockSpec((NAB, NAB), lambda b, t: (0, 0)),
            pl.BlockSpec((1, NAB), lambda b, t: (0, 0)),
        ],
        out_specs=pl.BlockSpec((1, A_T, NAB), lambda b, t: (b, t, 0)),
        out_shape=jax.ShapeDtypeStruct((B, AT, NAB), jnp.float32),
    )(f_double, neighbor_mask, x, ynbr4,
      Wf1.astype(jnp.bfloat16), bf1.astype(jnp.bfloat16).reshape(1, F),
      Wf2.astype(jnp.bfloat16), bf2.reshape(1, F),
      W_f2out.astype(jnp.bfloat16), b_f2out.reshape(1, NAB),
      W_dense.astype(jnp.bfloat16), b_dense.reshape(1, NAB))
    return out

# --- scband reference (transcript-rebuilt; emitter-appended) ---
"""Pipeline reference for scband-sch-net-interaction-double-85658827752013 (READ-ONLY COPY).

The authoritative reference and input builder live on the scoring server;
editing this copy changes nothing except your own understanding.
"""

import jax, jax.numpy as jnp
import numpy as np

B, AT, NBR = 16, 256, 48
N_ATOM_BASIS, N_GAUSS, N_FILTERS = 256, 64, 256


def shifted_softplus(x):
    return jax.nn.softplus(x) - jnp.log(2.0)


def setup_inputs(seed: int = 0):
    key = jax.random.key(seed)
    ks = jax.random.split(key, 12)
    x = jax.random.normal(ks[0], (B, AT, N_ATOM_BASIS), dtype=jnp.float32)
    f_double = jax.random.uniform(ks[1], (B, AT, NBR, N_GAUSS), dtype=jnp.float32)
    neighbors = jax.random.randint(ks[2], (B, AT, NBR), 0, AT, dtype=jnp.int32)
    neighbor_mask = jnp.ones((B, AT, NBR), dtype=jnp.float32)
    # filternet_double: Dense(n_gaussian_double, n_filters, shifted_softplus) -> Dense(n_filters, n_filters)
    Wf1 = jax.random.normal(ks[3], (N_GAUSS, N_FILTERS), dtype=jnp.float32) / np.sqrt(N_GAUSS)
    bf1 = jnp.zeros((N_FILTERS,), dtype=jnp.float32)
    Wf2 = jax.random.normal(ks[4], (N_FILTERS, N_FILTERS), dtype=jnp.float32) / np.sqrt(N_FILTERS)
    bf2 = jnp.zeros((N_FILTERS,), dtype=jnp.float32)
    # CFConvDouble: in2f Dense(n_atom_basis, n_filters, bias=False), f2out Dense(n_filters, n_atom_basis, activation=shifted_softplus)
    W_in2f = jax.random.normal(ks[5], (N_ATOM_BASIS, N_FILTERS), dtype=jnp.float32) / np.sqrt(N_ATOM_BASIS)
    W_f2out = jax.random.normal(ks[6], (N_FILTERS, N_ATOM_BASIS), dtype=jnp.float32) / np.sqrt(N_FILTERS)
    b_f2out = jnp.zeros((N_ATOM_BASIS,), dtype=jnp.float32)
    # final Dense(n_atom_basis, n_atom_basis)
    W_dense = jax.random.normal(ks[7], (N_ATOM_BASIS, N_ATOM_BASIS), dtype=jnp.float32) / np.sqrt(N_ATOM_BASIS)
    b_dense = jnp.zeros((N_ATOM_BASIS,), dtype=jnp.float32)
    return {"x": x, "f_double": f_double, "neighbors": neighbors, "neighbor_mask": neighbor_mask,
            "Wf1": Wf1, "bf1": bf1, "Wf2": Wf2, "bf2": bf2,
            "W_in2f": W_in2f, "W_f2out": W_f2out, "b_f2out": b_f2out,
            "W_dense": W_dense, "b_dense": b_dense}


def reference(x, f_double, neighbors, neighbor_mask, Wf1, bf1, Wf2, bf2, W_in2f, W_f2out, b_f2out, W_dense, b_dense):
    # filter network on double-distance gaussian expansion -> (B, At, Nbr, n_filters)
    W = shifted_softplus(f_double @ Wf1 + bf1) @ Wf2 + bf2
    # in2f (bias-free dense): (B, At, n_filters)
    y = x @ W_in2f
    # gather neighbor features per batch element: (B, At, Nbr, n_filters)
    y_nbr = jax.vmap(lambda yb, nb: yb[nb])(y, neighbors)
    # continuous-filter convolution: elementwise filter, mask padding, sum-aggregate (normalize_filter=False)
    y_nbr = y_nbr * W
    y_nbr = y_nbr * neighbor_mask[..., None]
    agg = jnp.sum(y_nbr, axis=2)
    # f2out with shifted_softplus activation
    v = shifted_softplus(agg @ W_f2out + b_f2out)
    # interaction dense (no activation) + residual
    v = v @ W_dense + b_dense
    return x + v

if __name__ == "__main__":
    import jax
    _d = setup_inputs()
    print(jax.jit(kernel)(*tuple(_d.values())))

</pallas_src>

<mosaic_0001>
#map = affine_map<(d0, d1) -> (0, 0)>
#map1 = affine_map<(d0, d1) -> (0)>
module attributes {stable_mosaic.version = 14 : i64} {
  func.func @gather_k(%arg0: i32, %arg1: i32, %arg2: memref<4096x256xf32, #tpu.memory_space<hbm>>, %arg3: memref<196608xi32, #tpu.memory_space<hbm>>, %arg4: memref<196608x256xf32, #tpu.memory_space<hbm>>, %arg5: memref<128xi32, #tpu.memory_space<vmem>>, %arg6: memref<128x256xf32, #tpu.memory_space<vmem>>, %arg7: memref<!tpu.dma_semaphore, #tpu.memory_space<semaphore_mem>>) attributes {dimension_semantics = [#tpu.dimension_semantics<core_parallel>, #tpu.dimension_semantics<subcore_parallel>], iteration_bounds = array<i64: 2, 16>, scalar_prefetch = 0 : i64, scratch_operands = 3 : i64, tpu.core_type = #tpu.core_type<sc_vector_subcore>, window_params = [{transform_indices = #map}, {transform_indices = #map1}, {transform_indices = #map}]} {
    %mul3A = arith.constant 2 : i32
    %mul3A_0 = arith.muli %arg1, %mul3A : i32
    %add3A = arith.addi %mul3A_0, %arg0 : i32
    %mul3A_1 = arith.constant 6144 : i32
    %mul3A_2 = arith.muli %add3A, %mul3A_1 : i32
    %scan3A = arith.constant 0 : i32
    %scan3A_3 = arith.constant 0 : i32
    %scan3A_4 = arith.constant 48 : i32
    %scan3A_5 = arith.addi %scan3A_3, %scan3A_4 : i32
    %scan3A_6 = arith.constant 1 : i32
    scf.for %scan3A_8 = %scan3A_3 to %scan3A_5 step %scan3A_6  : i32 {
      %mul3A_9 = arith.constant 128 : i32
      %mul3A_10 = arith.muli %scan3A_8, %mul3A_9 : i32
      %add3A_11 = arith.addi %mul3A_2, %mul3A_10 : i32
      "tpu.region"() ({
        %run_scoped3A = tpu.sem_alloc : memref<!tpu.dma_semaphore, #tpu.memory_space<semaphore_mem>>
        %dma_start3A_16 = tpu.memref_slice %arg3[%add3A_11] : memref<196608xi32, #tpu.memory_space<hbm>> -> memref<128xi32, #tpu.memory_space<hbm>>
        %dma_start3A_17 = tpu.memref_slice %arg3[%add3A_11] : memref<196608xi32, #tpu.memory_space<hbm>> -> memref<128xi32, #tpu.memory_space<hbm>>
        tpu.enqueue_dma source(%dma_start3A_17 : memref<128xi32, #tpu.memory_space<hbm>>) target(%arg5 : memref<128xi32, #tpu.memory_space<vmem>>) target_semaphore(%run_scoped3A : memref<!tpu.dma_semaphore, #tpu.memory_space<semaphore_mem>>)
        %dma_wait3A_18 = tpu.memref_slice %arg3[%add3A_11] : memref<196608xi32, #tpu.memory_space<hbm>> -> memref<128xi32, #tpu.memory_space<hbm>>
        %dma_wait3A_19 = tpu.memref_slice %arg3[%add3A_11] : memref<196608xi32, #tpu.memory_space<hbm>> -> memref<128xi32, #tpu.memory_space<hbm>>
        tpu.wait_dma2 semaphore(%run_scoped3A : memref<!tpu.dma_semaphore, #tpu.memory_space<semaphore_mem>>) src(%dma_wait3A_19 : memref<128xi32, #tpu.memory_space<hbm>>) dst(%arg5 : memref<128xi32, #tpu.memory_space<vmem>>)
        tpu.yield
      }) : () -> ()
      %dma_start3A = arith.constant 0 : i32
      %dma_start3A_12 = arith.constant 0 : i32
      %dma_start3A_13 = tpu.memref_slice %arg2[%dma_start3A, %dma_start3A_12] : memref<4096x256xf32, #tpu.memory_space<hbm>> -> memref<4096x256xf32, #tpu.memory_space<hbm>>
      tpu.enqueue_indirect_dma source(%dma_start3A_13 : memref<4096x256xf32, #tpu.memory_space<hbm>>) target(%arg6 : memref<128x256xf32, #tpu.memory_space<vmem>>) offsets(%arg5 : memref<128xi32, #tpu.memory_space<vmem>>) semaphore(%arg7 : memref<!tpu.dma_semaphore, #tpu.memory_space<semaphore_mem>>)
      %dma_wait3A = arith.constant 0 : i32
      %dma_wait3A_14 = arith.constant 0 : i32
      %dma_wait3A_15 = tpu.memref_slice %arg2[%dma_wait3A, %dma_wait3A_14] : memref<4096x256xf32, #tpu.memory_space<hbm>> -> memref<4096x256xf32, #tpu.memory_space<hbm>>
      tpu.wait_indirect_dma semaphore(%arg7 : memref<!tpu.dma_semaphore, #tpu.memory_space<semaphore_mem>>) src(%dma_wait3A_15 : memref<4096x256xf32, #tpu.memory_space<hbm>>) dst(%arg6 : memref<128x256xf32, #tpu.memory_space<vmem>>)
      "tpu.region"() ({
        %run_scoped3A = tpu.sem_alloc : memref<!tpu.dma_semaphore, #tpu.memory_space<semaphore_mem>>
        %dma_start3A_16 = arith.constant 0 : i32
        %dma_start3A_17 = tpu.memref_slice %arg4[%add3A_11, %dma_start3A_16] : memref<196608x256xf32, #tpu.memory_space<hbm>> -> memref<128x256xf32, #tpu.memory_space<hbm>>
        %dma_start3A_18 = arith.constant 0 : i32
        %dma_start3A_19 = tpu.memref_slice %arg4[%add3A_11, %dma_start3A_18] : memref<196608x256xf32, #tpu.memory_space<hbm>> -> memref<128x256xf32, #tpu.memory_space<hbm>>
        tpu.enqueue_dma source(%arg6 : memref<128x256xf32, #tpu.memory_space<vmem>>) target(%dma_start3A_19 : memref<128x256xf32, #tpu.memory_space<hbm>>) target_semaphore(%run_scoped3A : memref<!tpu.dma_semaphore, #tpu.memory_space<semaphore_mem>>)
        %dma_wait3A_20 = arith.constant 0 : i32
        %dma_wait3A_21 = tpu.memref_slice %arg4[%add3A_11, %dma_wait3A_20] : memref<196608x256xf32, #tpu.memory_space<hbm>> -> memref<128x256xf32, #tpu.memory_space<hbm>>
        %dma_wait3A_22 = arith.constant 0 : i32
        %dma_wait3A_23 = tpu.memref_slice %arg4[%add3A_11, %dma_wait3A_22] : memref<196608x256xf32, #tpu.memory_space<hbm>> -> memref<128x256xf32, #tpu.memory_space<hbm>>
        tpu.wait_dma2 semaphore(%run_scoped3A : memref<!tpu.dma_semaphore, #tpu.memory_space<semaphore_mem>>) src(%arg6 : memref<128x256xf32, #tpu.memory_space<vmem>>) dst(%dma_wait3A_23 : memref<128x256xf32, #tpu.memory_space<hbm>>)
        tpu.yield
      }) : () -> ()
    }
    %scan3A_7 = arith.constant 48 : i32
    return
  }
}

module attributes {stable_mosaic.version = 14 : i64} {
  func.func @_stage1_body(%arg0: i32, %arg1: memref<1x256x256xf32, #tpu.memory_space<vmem>>, %arg2: memref<256x256xbf16, #tpu.memory_space<vmem>>, %arg3: memref<1x48x256xi32, #tpu.memory_space<vmem>>, %arg4: memref<1x256x256xf32, #tpu.memory_space<vmem>>, %arg5: memref<1x256x48xi32, #tpu.memory_space<vmem>>) attributes {dimension_semantics = [#tpu.dimension_semantics<arbitrary>], iteration_bounds = array<i64: 16>, scalar_prefetch = 0 : i64, scratch_operands = 0 : i64, tpu.core_type = #tpu.core_type<tc>, window_params = [{transform_indices = @transform_0, window_bounds = array<i64: 1, 256, 256>}, {pipeline_mode = #tpu.pipeline_mode<synchronous>, transform_indices = @transform_1, window_bounds = array<i64: 256, 256>}, {transform_indices = @transform_2, window_bounds = array<i64: 1, 48, 256>}, {transform_indices = @transform_3, window_bounds = array<i64: 1, 256, 256>}, {transform_indices = @transform_4, window_bounds = array<i64: 1, 256, 48>}]} {
    %get3A = arith.constant 0 : index
    %get3A_0 = arith.constant 0 : index
    %get3A_1 = arith.constant 0 : index
    %get3A_2 = vector.load %arg1[%get3A, %get3A_0, %get3A_1] : memref<1x256x256xf32, #tpu.memory_space<vmem>>, vector<1x256x256xf32>
    %get3A_3 = vector.shape_cast %get3A_2 : vector<1x256x256xf32> to vector<256x256xf32>
    %convert_element_type3A = arith.truncf %get3A_3 : vector<256x256xf32> to vector<256x256xbf16>
    %get3A_4 = arith.constant 0 : index
    %get3A_5 = arith.constant 0 : index
    %get3A_6 = vector.load %arg2[%get3A_4, %get3A_5] : memref<256x256xbf16, #tpu.memory_space<vmem>>, vector<256x256xbf16>
    %dot_general3A = arith.constant dense<0.000000e+00> : vector<256x256xf32>
    %dot_general3A_7 = tpu.matmul %convert_element_type3A, %get3A_6, %dot_general3A {dimension_numbers = #tpu.dot_dimension_numbers<[1], [0], [0], [1], [0, 0, 1, 1], [], []>, transpose_lhs_hint = false} : vector<256x256xbf16>, vector<256x256xbf16>, vector<256x256xf32> -> vector<256x256xf32>
    %swap3A = arith.constant 0 : index
    %swap3A_8 = arith.constant 0 : index
    %swap3A_9 = arith.constant 0 : index
    %swap3A_10 = vector.load %arg4[%swap3A, %swap3A_8, %swap3A_9] : memref<1x256x256xf32, #tpu.memory_space<vmem>>, vector<1x256x256xf32>
    %swap3A_11 = vector.shape_cast %swap3A_10 : vector<1x256x256xf32> to vector<256x256xf32>
    %swap3A_12 = vector.shape_cast %dot_general3A_7 : vector<256x256xf32> to vector<1x256x256xf32>
    tpu.vector_store %arg4[%swap3A, %swap3A_8, %swap3A_9], %swap3A_12 {strides = array<i32>} : memref<1x256x256xf32, #tpu.memory_space<vmem>>, vector<1x256x256xf32>,
    %get3A_13 = arith.constant 0 : index
    %get3A_14 = arith.constant 0 : index
    %get3A_15 = arith.constant 0 : index
    %get3A_16 = vector.load %arg3[%get3A_13, %get3A_14, %get3A_15] : memref<1x48x256xi32, #tpu.memory_space<vmem>>, vector<1x48x256xi32>
    %get3A_17 = vector.shape_cast %get3A_16 : vector<1x48x256xi32> to vector<48x256xi32>
    %transpose3A = tpu.transpose %get3A_17, [1, 0] : vector<48x256xi32> -> vector<256x48xi32>
    %mul3A = arith.constant 256 : i32
    %mul3A_18 = arith.muli %arg0, %mul3A : i32
    %add3A = vector.broadcast %mul3A_18 : i32 to vector<256x48xi32>
    %add3A_19 = arith.addi %transpose3A, %add3A : vector<256x48xi32>
    %swap3A_20 = arith.constant 0 : index
    %swap3A_21 = arith.constant 0 : index
    %swap3A_22 = arith.constant 0 : index
    %swap3A_23 = vector.load %arg5[%swap3A_20, %swap3A_21, %swap3A_22] : memref<1x256x48xi32, #tpu.memory_space<vmem>>, vector<1x256x48xi32>
    %swap3A_24 = vector.shape_cast %swap3A_23 : vector<1x256x48xi32> to vector<256x48xi32>
    %swap3A_25 = vector.shape_cast %add3A_19 : vector<256x48xi32> to vector<1x256x48xi32>
    tpu.vector_store %arg5[%swap3A_20, %swap3A_21, %swap3A_22], %swap3A_25 {strides = array<i32>} : memref<1x256x48xi32, #tpu.memory_space<vmem>>, vector<1x256x48xi32>,
    return
  }
  func.func @transform_0(%arg0: i32) -> (i32, i32, i32) {
    %c0_i32 = arith.constant 0 : i32
    %c0_i32_0 = arith.constant 0 : i32
    %c0_i32_1 = arith.constant 0 : i32
    return %arg0, %c0_i32, %c0_i32_0 : i32, i32, i32
  }
  func.func @transform_1(%arg0: i32) -> (i32, i32) {
    %c0_i32 = arith.constant 0 : i32
    %c0_i32_0 = arith.constant 0 : i32
    %c0_i32_1 = arith.constant 0 : i32
    return %c0_i32, %c0_i32_0 : i32, i32
  }
  func.func @transform_2(%arg0: i32) -> (i32, i32, i32) {
    %c0_i32 = arith.constant 0 : i32
    %c0_i32_0 = arith.constant 0 : i32
    %c0_i32_1 = arith.constant 0 : i32
    return %arg0, %c0_i32, %c0_i32_0 : i32, i32, i32
  }
  func.func @transform_3(%arg0: i32) -> (i32, i32, i32) {
    %c0_i32 = arith.constant 0 : i32
    %c0_i32_0 = arith.constant 0 : i32
    %c0_i32_1 = arith.constant 0 : i32
    return %arg0, %c0_i32, %c0_i32_0 : i32, i32, i32
  }
  func.func @transform_4(%arg0: i32) -> (i32, i32, i32) {
    %c0_i32 = arith.constant 0 : i32
    %c0_i32_0 = arith.constant 0 : i32
    %c0_i32_1 = arith.constant 0 : i32
    return %arg0, %c0_i32, %c0_i32_0 : i32, i32, i32
  }
}

module attributes {stable_mosaic.version = 14 : i64} {
  func.func @_main_body(%arg0: i32, %arg1: i32, %arg2: memref<1x32x48x64xf32, #tpu.memory_space<vmem>>, %arg3: memref<1x32x48xf32, #tpu.memory_space<vmem>>, %arg4: memref<1x32x256xf32, #tpu.memory_space<vmem>>, %arg5: memref<1x1x1536x256xf32, #tpu.memory_space<vmem>>, %arg6: memref<64x256xbf16, #tpu.memory_space<vmem>>, %arg7: memref<1x256xbf16, #tpu.memory_space<vmem>>, %arg8: memref<256x256xbf16, #tpu.memory_space<vmem>>, %arg9: memref<1x256xf32, #tpu.memory_space<vmem>>, %arg10: memref<256x256xbf16, #tpu.memory_space<vmem>>, %arg11: memref<1x256xf32, #tpu.memory_space<vmem>>, %arg12: memref<256x256xbf16, #tpu.memory_space<vmem>>, %arg13: memref<1x256xf32, #tpu.memory_space<vmem>>, %arg14: memref<1x32x256xf32, #tpu.memory_space<vmem>>) attributes {dimension_semantics = [#tpu.dimension_semantics<arbitrary>, #tpu.dimension_semantics<arbitrary>], iteration_bounds = array<i64: 16, 8>, scalar_prefetch = 0 : i64, scratch_operands = 0 : i64, tpu.core_type = #tpu.core_type<tc>, window_params = [{transform_indices = @transform_0, window_bounds = array<i64: 1, 32, 48, 64>}, {transform_indices = @transform_1, window_bounds = array<i64: 1, 32, 48>}, {transform_indices = @transform_2, window_bounds = array<i64: 1, 32, 256>}, {transform_indices = @transform_3, window_bounds = array<i64: 1, 1, 1536, 256>}, {pipeline_mode = #tpu.pipeline_mode<synchronous>, transform_indices = @transform_4, window_bounds = array<i64: 64, 256>}, {pipeline_mode = #tpu.pipeline_mode<synchronous>, transform_indices = @transform_5, window_bounds = array<i64: 1, 256>}, {pipeline_mode = #tpu.pipeline_mode<synchronous>, transform_indices = @transform_6, window_bounds = array<i64: 256, 256>}, {pipeline_mode = #tpu.pipeline_mode<synchronous>, transform_indices = @transform_7, window_bounds = array<i64: 1, 256>}, {pipeline_mode = #tpu.pipeline_mode<synchronous>, transform_indices = @transform_8, window_bounds = array<i64: 256, 256>}, {pipeline_mode = #tpu.pipeline_mode<synchronous>, transform_indices = @transform_9, window_bounds = array<i64: 1, 256>}, {pipeline_mode = #tpu.pipeline_mode<synchronous>, transform_indices = @transform_10, window_bounds = array<i64: 256, 256>}, {pipeline_mode = #tpu.pipeline_mode<synchronous>, transform_indices = @transform_11, window_bounds = array<i64: 1, 256>}, {transform_indices = @transform_12, window_bounds = array<i64: 1, 32, 256>}]} {
    %get3A = arith.constant 0 : index
    %get3A_0 = arith.constant 0 : index
    %get3A_1 = arith.constant 0 : index
    %get3A_2 = arith.constant 0 : index
    %get3A_3 = vector.load %arg2[%get3A, %get3A_0, %get3A_1, %get3A_2] : memref<1x32x48x64xf32, #tpu.memory_space<vmem>>, vector<1x32x48x64xf32>
    %get3A_4 = vector.shape_cast %get3A_3 : vector<1x32x48x64xf32> to vector<32x48x64xf32>
    %reshape3A = vector.shape_cast %get3A_4 : vector<32x48x64xf32> to vector<1536x64xf32>
    %convert_element_type3A = arith.truncf %reshape3A : vector<1536x64xf32> to vector<1536x64xbf16>
    %get3A_5 = arith.constant 0 : index
    %get3A_6 = arith.constant 0 : index
    %get3A_7 = vector.load %arg6[%get3A_5, %get3A_6] : memref<64x256xbf16, #tpu.memory_space<vmem>>, vector<64x256xbf16>
    %dot_general3A = arith.constant dense<0.000000e+00> : vector<1536x256xf32>
    %dot_general3A_8 = tpu.matmul %convert_element_type3A, %get3A_7, %dot_general3A {dimension_numbers = #tpu.dot_dimension_numbers<[1], [0], [0], [1], [0, 0, 1, 1], [], []>, transpose_lhs_hint = false} : vector<1536x64xbf16>, vector<64x256xbf16>, vector<1536x256xf32> -> vector<1536x256xf32>
    %convert_element_type3A_9 = arith.truncf %dot_general3A_8 : vector<1536x256xf32> to vector<1536x256xbf16>
    %get3A_10 = arith.constant 0 : index
    %get3A_11 = arith.constant 0 : index
    %get3A_12 = vector.load %arg7[%get3A_10, %get3A_11] : memref<1x256xbf16, #tpu.memory_space<vmem>>, vector<1x256xbf16>
    %add3A = vector.broadcast %get3A_12 : vector<1x256xbf16> to vector<1536x256xbf16>
    %add3A_13 = arith.addf %convert_element_type3A_9, %add3A : vector<1536x256xbf16>
    %max3A = arith.constant 0.000000e+00 : bf16
    %max3A_14 = vector.broadcast %max3A : bf16 to vector<1536x256xbf16>
    %max3A_15 = arith.maximumf %add3A_13, %max3A_14 : vector<1536x256xbf16>
    %abs3A = math.absf %add3A_13 : vector<1536x256xbf16>
    %neg3A = arith.constant 0.000000e+00 : bf16
    %neg3A_16 = vector.broadcast %neg3A : bf16 to vector<1536x256xbf16>
    %neg3A_17 = arith.subf %neg3A_16, %abs3A : vector<1536x256xbf16>
    %exp3A = math.exp %neg3A_17 : vector<1536x256xbf16>
    %log1p3A = math.log1p %exp3A : vector<1536x256xbf16>
    %add3A_18 = arith.addf %max3A_15, %log1p3A : vector<1536x256xbf16>
    %sub3A = arith.constant 6.914060e-01 : bf16
    %sub3A_19 = vector.broadcast %sub3A : bf16 to vector<1536x256xbf16>
    %sub3A_20 = arith.subf %add3A_18, %sub3A_19 : vector<1536x256xbf16>
    %get3A_21 = arith.constant 0 : index
    %get3A_22 = arith.constant 0 : index
    %get3A_23 = vector.load %arg8[%get3A_21, %get3A_22] : memref<256x256xbf16, #tpu.memory_space<vmem>>, vector<256x256xbf16>
    %dot_general3A_24 = arith.constant dense<0.000000e+00> : vector<1536x256xf32>
    %dot_general3A_25 = tpu.matmul %sub3A_20, %get3A_23, %dot_general3A_24 {dimension_numbers = #tpu.dot_dimension_numbers<[1], [0], [0], [1], [0, 0, 1, 1], [], []>, transpose_lhs_hint = false} : vector<1536x256xbf16>, vector<256x256xbf16>, vector<1536x256xf32> -> vector<1536x256xf32>
    %get3A_26 = arith.constant 0 : index
    %get3A_27 = arith.constant 0 : index
    %get3A_28 = vector.load %arg9[%get3A_26, %get3A_27] : memref<1x256xf32, #tpu.memory_space<vmem>>, vector<1x256xf32>
    %add3A_29 = vector.broadcast %get3A_28 : vector<1x256xf32> to vector<1536x256xf32>
    %add3A_30 = arith.addf %dot_general3A_25, %add3A_29 : vector<1536x256xf32>
    %get3A_31 = arith.constant 0 : index
    %get3A_32 = arith.constant 0 : index
    %get3A_33 = arith.constant 0 : index
    %get3A_34 = arith.constant 0 : index
    %get3A_35 = vector.load %arg5[%get3A_31, %get3A_32, %get3A_33, %get3A_34] : memref<1x1x1536x256xf32, #tpu.memory_space<vmem>>, vector<1x1x1536x256xf32>
    %get3A_36 = vector.shape_cast %get3A_35 : vector<1x1x1536x256xf32> to vector<1536x256xf32>
    %mul3A = arith.mulf %add3A_30, %get3A_36 : vector<1536x256xf32>
    %reshape3A_37 = vector.shape_cast %mul3A : vector<1536x256xf32> to vector<32x48x256xf32>
    %get3A_38 = arith.constant 0 : index
    %get3A_39 = arith.constant 0 : index
    %get3A_40 = arith.constant 0 : index
    %get3A_41 = vector.load %arg3[%get3A_38, %get3A_39, %get3A_40] : memref<1x32x48xf32, #tpu.memory_space<vmem>>, vector<1x32x48xf32>
    %get3A_42 = vector.shape_cast %get3A_41 : vector<1x32x48xf32> to vector<32x48xf32>
    %broadcast_in_dim3A = vector.shape_cast %get3A_42 : vector<32x48xf32> to vector<32x48x1xf32>
    %mul3A_43 = vector.broadcast %broadcast_in_dim3A : vector<32x48x1xf32> to vector<32x48x256xf32>
    %mul3A_44 = arith.mulf %reshape3A_37, %mul3A_43 : vector<32x48x256xf32>
    %reduce_sum3A = arith.constant dense<0.000000e+00> : vector<32x256xf32>
    %reduce_sum3A_45 = vector.multi_reduction <add>, %mul3A_44, %reduce_sum3A [1] : vector<32x48x256xf32> to vector<32x256xf32>
    %convert_element_type3A_46 = arith.truncf %reduce_sum3A_45 : vector<32x256xf32> to vector<32x256xbf16>
    %get3A_47 = arith.constant 0 : index
    %get3A_48 = arith.constant 0 : index
    %get3A_49 = vector.load %arg10[%get3A_47, %get3A_48] : memref<256x256xbf16, #tpu.memory_space<vmem>>, vector<256x256xbf16>
    %dot_general3A_50 = arith.constant dense<0.000000e+00> : vector<32x256xf32>
    %dot_general3A_51 = tpu.matmul %convert_element_type3A_46, %get3A_49, %dot_general3A_50 {dimension_numbers = #tpu.dot_dimension_numbers<[1], [0], [0], [1], [0, 0, 1, 1], [], []>, transpose_lhs_hint = false} : vector<32x256xbf16>, vector<256x256xbf16>, vector<32x256xf32> -> vector<32x256xf32>
    %get3A_52 = arith.constant 0 : index
    %get3A_53 = arith.constant 0 : index
    %get3A_54 = vector.load %arg11[%get3A_52, %get3A_53] : memref<1x256xf32, #tpu.memory_space<vmem>>, vector<1x256xf32>
    %add3A_55 = vector.broadcast %get3A_54 : vector<1x256xf32> to vector<32x256xf32>
    %add3A_56 = arith.addf %dot_general3A_51, %add3A_55 : vector<32x256xf32>
    %max3A_57 = arith.constant 0.000000e+00 : f32
    %max3A_58 = vector.broadcast %max3A_57 : f32 to vector<32x256xf32>
    %max3A_59 = arith.maximumf %add3A_56, %max3A_58 : vector<32x256xf32>
    %abs3A_60 = math.absf %add3A_56 : vector<32x256xf32>
    %neg3A_61 = arith.constant 0.000000e+00 : f32
    %neg3A_62 = vector.broadcast %neg3A_61 : f32 to vector<32x256xf32>
    %neg3A_63 = arith.subf %neg3A_62, %abs3A_60 : vector<32x256xf32>
    %exp3A_64 = math.exp %neg3A_63 : vector<32x256xf32>
    %log1p3A_65 = math.log1p %exp3A_64 : vector<32x256xf32>
    %add3A_66 = arith.addf %max3A_59, %log1p3A_65 : vector<32x256xf32>
    %sub3A_67 = arith.constant 0.693147182 : f32
    %sub3A_68 = vector.broadcast %sub3A_67 : f32 to vector<32x256xf32>
    %sub3A_69 = arith.subf %add3A_66, %sub3A_68 : vector<32x256xf32>
    %convert_element_type3A_70 = arith.truncf %sub3A_69 : vector<32x256xf32> to vector<32x256xbf16>
    %get3A_71 = arith.constant 0 : index
    %get3A_72 = arith.constant 0 : index
    %get3A_73 = vector.load %arg12[%get3A_71, %get3A_72] : memref<256x256xbf16, #tpu.memory_space<vmem>>, vector<256x256xbf16>
    %dot_general3A_74 = arith.constant dense<0.000000e+00> : vector<32x256xf32>
    %dot_general3A_75 = tpu.matmul %convert_element_type3A_70, %get3A_73, %dot_general3A_74 {dimension_numbers = #tpu.dot_dimension_numbers<[1], [0], [0], [1], [0, 0, 1, 1], [], []>, transpose_lhs_hint = false} : vector<32x256xbf16>, vector<256x256xbf16>, vector<32x256xf32> -> vector<32x256xf32>
    %get3A_76 = arith.constant 0 : index
    %get3A_77 = arith.constant 0 : index
    %get3A_78 = vector.load %arg13[%get3A_76, %get3A_77] : memref<1x256xf32, #tpu.memory_space<vmem>>, vector<1x256xf32>
    %add3A_79 = vector.broadcast %get3A_78 : vector<1x256xf32> to vector<32x256xf32>
    %add3A_80 = arith.addf %dot_general3A_75, %add3A_79 : vector<32x256xf32>
    %get3A_81 = arith.constant 0 : index
    %get3A_82 = arith.constant 0 : index
    %get3A_83 = arith.constant 0 : index
    %get3A_84 = vector.load %arg4[%get3A_81, %get3A_82, %get3A_83] : memref<1x32x256xf32, #tpu.memory_space<vmem>>, vector<1x32x256xf32>
    %get3A_85 = vector.shape_cast %get3A_84 : vector<1x32x256xf32> to vector<32x256xf32>
    %add3A_86 = arith.addf %add3A_80, %get3A_85 : vector<32x256xf32>
    %swap3A = arith.constant 0 : index
    %swap3A_87 = arith.constant 0 : index
    %swap3A_88 = arith.constant 0 : index
    %swap3A_89 = vector.load %arg14[%swap3A, %swap3A_87, %swap3A_88] : memref<1x32x256xf32, #tpu.memory_space<vmem>>, vector<1x32x256xf32>
    %swap3A_90 = vector.shape_cast %swap3A_89 : vector<1x32x256xf32> to vector<32x256xf32>
    %swap3A_91 = vector.shape_cast %add3A_86 : vector<32x256xf32> to vector<1x32x256xf32>
    tpu.vector_store %arg14[%swap3A, %swap3A_87, %swap3A_88], %swap3A_91 {strides = array<i32>} : memref<1x32x256xf32, #tpu.memory_space<vmem>>, vector<1x32x256xf32>,
    return
  }
  func.func @transform_0(%arg0: i32, %arg1: i32) -> (i32, i32, i32, i32) {
    %c0_i32 = arith.constant 0 : i32
    %c0_i32_0 = arith.constant 0 : i32
    %c0_i32_1 = arith.constant 0 : i32
    return %arg0, %arg1, %c0_i32, %c0_i32_0 : i32, i32, i32, i32
  }
  func.func @transform_1(%arg0: i32, %arg1: i32) -> (i32, i32, i32) {
    %c0_i32 = arith.constant 0 : i32
    %c0_i32_0 = arith.constant 0 : i32
    return %arg0, %arg1, %c0_i32 : i32, i32, i32
  }
  func.func @transform_2(%arg0: i32, %arg1: i32) -> (i32, i32, i32) {
    %c0_i32 = arith.constant 0 : i32
    %c0_i32_0 = arith.constant 0 : i32
    return %arg0, %arg1, %c0_i32 : i32, i32, i32
  }
  func.func @transform_3(%arg0: i32, %arg1: i32) -> (i32, i32, i32, i32) {
    %c0_i32 = arith.constant 0 : i32
    %c0_i32_0 = arith.constant 0 : i32
    %c0_i32_1 = arith.constant 0 : i32
    return %arg0, %arg1, %c0_i32, %c0_i32_0 : i32, i32, i32, i32
  }
  func.func @transform_4(%arg0: i32, %arg1: i32) -> (i32, i32) {
    %c0_i32 = arith.constant 0 : i32
    %c0_i32_0 = arith.constant 0 : i32
    %c0_i32_1 = arith.constant 0 : i32
    return %c0_i32, %c0_i32_0 : i32, i32
  }
  func.func @transform_5(%arg0: i32, %arg1: i32) -> (i32, i32) {
    %c0_i32 = arith.constant 0 : i32
    %c0_i32_0 = arith.constant 0 : i32
    %c0_i32_1 = arith.constant 0 : i32
    return %c0_i32, %c0_i32_0 : i32, i32
  }
  func.func @transform_6(%arg0: i32, %arg1: i32) -> (i32, i32) {
    %c0_i32 = arith.constant 0 : i32
    %c0_i32_0 = arith.constant 0 : i32
    %c0_i32_1 = arith.constant 0 : i32
    return %c0_i32, %c0_i32_0 : i32, i32
  }
  func.func @transform_7(%arg0: i32, %arg1: i32) -> (i32, i32) {
    %c0_i32 = arith.constant 0 : i32
    %c0_i32_0 = arith.constant 0 : i32
    %c0_i32_1 = arith.constant 0 : i32
    return %c0_i32, %c0_i32_0 : i32, i32
  }
  func.func @transform_8(%arg0: i32, %arg1: i32) -> (i32, i32) {
    %c0_i32 = arith.constant 0 : i32
    %c0_i32_0 = arith.constant 0 : i32
    %c0_i32_1 = arith.constant 0 : i32
    return %c0_i32, %c0_i32_0 : i32, i32
  }
  func.func @transform_9(%arg0: i32, %arg1: i32) -> (i32, i32) {
    %c0_i32 = arith.constant 0 : i32
    %c0_i32_0 = arith.constant 0 : i32
    %c0_i32_1 = arith.constant 0 : i32
    return %c0_i32, %c0_i32_0 : i32, i32
  }
  func.func @transform_10(%arg0: i32, %arg1: i32) -> (i32, i32) {
    %c0_i32 = arith.constant 0 : i32
    %c0_i32_0 = arith.constant 0 : i32
    %c0_i32_1 = arith.constant 0 : i32
    return %c0_i32, %c0_i32_0 : i32, i32
  }
  func.func @transform_11(%arg0: i32, %arg1: i32) -> (i32, i32) {
    %c0_i32 = arith.constant 0 : i32
    %c0_i32_0 = arith.constant 0 : i32
    %c0_i32_1 = arith.constant 0 : i32
    return %c0_i32, %c0_i32_0 : i32, i32
  }
  func.func @transform_12(%arg0: i32, %arg1: i32) -> (i32, i32, i32) {
    %c0_i32 = arith.constant 0 : i32
    %c0_i32_0 = arith.constant 0 : i32
    return %arg0, %arg1, %c0_i32 : i32, i32, i32
  }
}

</mosaic_0001>

<sc_bundles>
// kernel: kernel.5.cloned.1.call-start
scs
__scs_entry_jumppad:
0x0: {  	(pc) =	sbr.rel $0x88, $3  }
0x1: {  	(tag) =	ssettag $0x0;
	lr =	simm.s32 $0x1  }
0x2: {  	[smem:$0x3F94] =	sst lr;
	_ =	strace $0xD0000000  }
0x3: {  	_ = 	snop  }
0x4: {  	_ = 	snop  }
0x5: {  	_ = 	snop  }
0x6: {  	_ = 	snop  }
0x7: {  	_ = 	snop  }
__scs_overlays_trampoline_lowered:
0x8: {  	[smem:$0x3FA3] =	sst s0  }
0x9: {  	[smem:$0x3FA4] =	sst s1  }
0xa: {  	[smem:$0x3FA5] =	sst s2  }
0xb: {  	[smem:$0x3FA6] =	sst s3  }
0xc: {  	[smem:$0x3FA7] =	sst s4  }
0xd: {  	[smem:$0x3FA8] =	sst s5  }
0xe: {  	[smem:$0x3FA9] =	sst s6  }
0xf: {  	[smem:$0x3FAA] =	sst s7  }
0x10: {  	[smem:$0x3FAB] =	sst s8  }
0x11: {  	[smem:$0x3FAC] =	sst s9;
	s0 =	simm.s32 @!p0 $0x0  }
0x12: {  	s1 =	sld [smem:$0x3F92];
	s0 =	simm.s32 @p0 $0x1  }
0x13: {  	[smem:$0x3FAD] =	sst s0;
	s0 =	simm.s32 @!p1 $0x0  }
0x14: {  	s2 =	sld [smem:$0x3F91];
	s0 =	simm.s32 @p1 $0x1  }
0x15: {  	[smem:$0x3FAE] =	sst s0;
	s0 =	simm.s32 @!p2 $0x0  }
0x16: {  	s3 =	sld [smem:$0x3FDB];
	s0 =	simm.s32 @p2 $0x1  }
0x17: {  	s4 =	simm.s32 $0x1BF5;
	[smem:$0x3FB0] =	sst s0  }
0x18: {  	s0 =	sld [smem:$0x3F93];
	_ =	swait.ge [sflag:s4], $0x0  }
0x19: {  	s7 =	sld [smem:$0x3F94]  }
0x1a: {  	s8 =	sadd.s32 $0xFFFFE003, lr  }
0x1b: {  	s9 =	sadd.s32 $0xFFFFFEF7, lr;
	s5 =	simm.s32 $0xFFFFFFFF;
	p2 =	slt.u32 s8, $0xFFFFF086  }
0x1c: {  	p1 =	slt.u32 s9, $0xF7A;
	s5 =	simm.s32 @!p2 $0x0  }
0x1d: {  	s5 =	simm.s32 @p1 $0x1;
	p0 =	seq.s32 s7, s2  }
0x1e: {  	s7 =	smul.u32 @!p0 $0xF7A, s2;
	p2 =	seq.s32 @!p0 s5, $0x0  }
0x1f: {  	s9 =	smul.u32 $0xF7A, s1;
	s8 =	simm.s32 @!p0 $0x1BF5;
	p2 =	por !p2, p0  }
0x20: {  	[sflag:s8] =	ssyncset.s32 @!p0 $0xFFFFF086;
	s6 =	sadd.s32 @!p0 s3, s7;
	s7 =	simm.s32 @!p0 $0x108  }
0x21: {  	s3 =	sadd.s32 s3, s9;
	s6 =	sadd.s32 @!p0 $0x88, s6;
	s7 =	simm.s32 @p2 $0x1082  }
0x22: {  	[simem:s7], [sflag:s8] =	dma.local @!p0 [hbm:s6], $0xF7A  }
0x23: {  	s9 =	sor.u32 $0xD0000000, s2;
	s6 =	simm.s32 $0x108;
	_ =	swait.ge @!p0 [sflag:s8], $0x0  }
0x24: {  	s3 =	sadd.s32 $0x88, s3;
	s6 =	simm.s32 @!p1 $0x1082;
	[sflag:s4] =	ssyncset.s32 $0xFFFFF086  }
0x25: {  	[simem:s6], [sflag:s4] =	dma.local [hbm:s3], $0xF7A  }
0x26: {  	[smem:$0x3F94] =	sst s1;
	(tag) =	ssettag s2;
	_ =	strace s9  }
0x27: {  	s1 =	sld [smem:$0x3FA4]  }
0x28: {  	s2 =	sld [smem:$0x3FA5]  }
0x29: {  	s4 =	sld [smem:$0x3FA7]  }
0x2a: {  	p0 =	seq.s32 s5, $0x0;
	s5 =	sld [smem:$0x3FA8]  }
0x2b: {  	s6 =	sld [smem:$0x3FA9]  }
0x2c: {  	s7 =	sld [smem:$0x3FAA]  }
0x2d: {  	s3 =	simm.s32 $0x108;
	s8 =	sld [smem:$0x3FAB]  }
0x2e: {  	s3 =	simm.s32 @!p0 $0x1082;
	s9 =	sld [smem:$0x3FAC]  }
0x2f: {  	lr =	sadd.s32 s0, s3;
	s0 =	sld [smem:$0x3FA3]  }
0x30: {  	s3 =	sld [smem:$0x3FA6]  }
0x31: {  	[smem:$0x3FAF] =	sst s10  }
0x32: {  	s10 =	sld [smem:$0x3FAD];
	_ =	sdelay $0x3  }
0x33: {  	p0 =	seq.s32 s10, $0x1;
	s10 =	sld [smem:$0x3FAF];
	_ =	sdelay $0x3  }
0x34: {  	[smem:$0x3FAF] =	sst s10  }
0x35: {  	s10 =	sld [smem:$0x3FAE];
	_ =	sdelay $0x3  }
0x36: {  	p1 =	seq.s32 s10, $0x1;
	s10 =	sld [smem:$0x3FAF];
	_ =	sdelay $0x3  }
0x37: {  	[smem:$0x3FAF] =	sst s10  }
0x38: {  	s10 =	sld [smem:$0x3FB0]  }
0x39: {  	_ = 	snop;
	(pc) =	sbr.ind lr, $3  }
0x3a: {  	_ = 	snop  }
0x3b: {  	_ = 	snop  }
0x3c: {  	p2 =	seq.s32 s10, $0x1;
	s10 =	sld [smem:$0x3FAF]  }
0x3d: {  	_ =	shalt  }
0x3e: {  	_ =	shalt  }
0x3f: {  	_ =	shalt  }
0x40: {  	_ =	shalt  }
0x41: {  	_ =	shalt  }
0x42: {  	_ =	shalt  }
0x43: {  	_ =	shalt  }
0x44: {  	_ =	shalt  }
0x45: {  	_ =	shalt  }
0x46: {  	_ =	shalt  }
0x47: {  	_ =	shalt  }
0x48: {  	_ =	shalt  }
0x49: {  	_ =	shalt  }
0x4a: {  	_ =	shalt  }
0x4b: {  	_ =	shalt  }
0x4c: {  	_ =	shalt  }
0x4d: {  	_ =	shalt  }
0x4e: {  	_ =	shalt  }
0x4f: {  	_ =	shalt  }
0x50: {  	_ =	shalt  }
0x51: {  	_ =	shalt  }
0x52: {  	_ =	shalt  }
0x53: {  	_ =	shalt  }
0x54: {  	_ =	shalt  }
0x55: {  	_ =	shalt  }
0x56: {  	_ =	shalt  }
0x57: {  	_ =	shalt  }
0x58: {  	_ =	shalt  }
0x59: {  	_ =	shalt  }
0x5a: {  	_ =	shalt  }
0x5b: {  	_ =	shalt  }
0x5c: {  	_ =	shalt  }
0x5d: {  	_ =	shalt  }
0x5e: {  	_ =	shalt  }
0x5f: {  	_ =	shalt  }
0x60: {  	_ =	shalt  }
0x61: {  	_ =	shalt  }
0x62: {  	_ =	shalt  }
0x63: {  	_ =	shalt  }
0x64: {  	_ =	shalt  }
0x65: {  	_ =	shalt  }
0x66: {  	_ =	shalt  }
0x67: {  	_ =	shalt  }
0x68: {  	_ =	shalt  }
0x69: {  	_ =	shalt  }
0x6a: {  	_ =	shalt  }
0x6b: {  	_ =	shalt  }
0x6c: {  	_ =	shalt  }
0x6d: {  	_ =	shalt  }
0x6e: {  	_ =	shalt  }
0x6f: {  	_ =	shalt  }
0x70: {  	_ =	shalt  }
0x71: {  	_ =	shalt  }
0x72: {  	_ =	shalt  }
0x73: {  	_ =	shalt  }
0x74: {  	_ =	shalt  }
0x75: {  	_ =	shalt  }
0x76: {  	_ =	shalt  }
0x77: {  	_ =	shalt  }
0x78: {  	_ =	shalt  }
0x79: {  	_ =	shalt  }
0x7a: {  	_ =	shalt  }
0x7b: {  	_ =	shalt  }
0x7c: {  	_ =	shalt  }
0x7d: {  	_ =	shalt  }
0x7e: {  	_ =	shalt  }
0x7f: {  	_ =	shalt  }
0x80: {  	_ =	shalt  }
0x81: {  	_ =	shalt  }
0x82: {  	_ =	shalt  }
0x83: {  	_ =	shalt  }
0x84: {  	_ =	shalt  }
0x85: {  	_ =	shalt  }
0x86: {  	_ =	shalt  }
0x87: {  	_ =	shalt  }
.Lfunc_end0:
.L_simem_size_0:
called_computation_lowered:
.L_overlay_start_0:
0x88: {  	s2 =	sld [smem:$0x3FD9]  }
0x89: {  	s3 =	sld [smem:$0x3FFE];
	_ =	sdelay $0x1  }
0x8a: {  	s1 =	srdreg.scid  }
0x8b: {  	s0 =	sand.u32 $0x1, s1  }
0x8c: {  	s17 =	sshll.u32 s0, $0xA;
	s2 =	sadd.s32 s3, s2  }
0x8d: {  	s2 =	sadd.s32 s2, s17  }
0x8e: {  	[smem:$0x3FBB] =	sst s2  }
0x8f: {  	_ = 	snop  }
0x90: {  	s2 =	sld [smem:$0x3FD0];
	(tm) =	ssettm $0x1  }
0x91: {  	s18 =	sld [smem:$0x3FFB];
	_ =	sdelay $0x3  }
0x92: {  	_ =	strace s18  }
0x93: {  	s3 =	sld [smem:$0x3FFC];
	_ =	sdelay $0x3  }
0x94: {  	_ =	strace s3  }
0x95: {  	s3 =	sld [smem:$0x3FFD];
	_ =	sdelay $0x3  }
0x96: {  	_ =	strace s3  }
0x97: {  	_ =	strace $0x8FFFFFFF  }
0x98: {  	s19 =	sld [smem:$0x3FDB];
	_ =	sdelay $0x1  }
0x99: {  	s4 =	simm.s32 $_scs_section_size  }
0x9a: {  	s5 =	simm.s32 $_size__tile_overlayer_lowered;
	s6 =	simm.s32 $_tile_overlayer_lowered  }
0x9b: {  	s22 =	simm.s32 $0x1BFF;
	s21 =	sshll.u32 s6, $0x1;
	s3 =	sadd.s32 s4, s19  }
0x9c: {  	s7 =	simm.s32 $0x0;
	s20 =	sshll.u32 s5, $0x1;
	s5 =	sadd.s32 s21, s3  }
0x9d: {  	[timem:s7], [sflag:s22] =	dma.local [hbm:s5], s20  }
0x9e: {  	_ =	swait.ge [sflag:s22], s20  }
0x9f: {  	s4 =	ssub.s32 $0x0, s20;
	[sflag:s22] =	ssyncset.done $0x0  }
0xa0: {  	[sflag:s22] =	ssyncadd.s32 s4;
	_ =	sdelay $0x1  }
0xa1: {  	s23 =	simm.s32 $0x1B8B  }
0xa2: {  	_ =	swait.ge [sflag:s23], $0x1  }
0xa3: {  	[sflag:s23] =	ssyncset.done $0x0  }
0xa4: {  	s25 =	simm.s32 $0x1B8E;
	s24 =	sld [smem:$0x3FFE];
	[sflag:s23] =	ssyncadd.s32 $0xFFFFFFFF  }
0xa5: {  	s26 =	simm.s32 $execute0_lowered;
	[smem:$0x3FD2] =	sst s25  }
0xa6: {  	s5 =	sshll.u32 s26, $0x1;
	_ =	strace $0x80000046;
	[dreg:$0x1] =	wrdreg $0xFFFFFFFF  }
0xa7: {  	s28 =	simm.s32 $_size_execute0_lowered;
	s3 =	sadd.s32 s3, s5;
	[dreg:$0x0] =	wrdreg $0x0  }
0xa8: {  	s5 =	sshll.u32 s28, $0x1;
	[dreg:$0x2] =	wrdreg s3  }
0xa9: {  	[dreg:$0x3] =	wrdreg s5  }
0xaa: {  	[dreg:$0x4] =	wrdreg $0xC0  }
0xab: {  	_ =	task [dreg:s7], $0x5FFFF  }
0xac: {  	[dreg:$0x1] =	wrdreg $0xFFFFFFFF  }
0xad: {  	[dreg:$0x0] =	wrdreg $0x60  }
0xae: {  	[dreg:$0x2] =	wrdreg s2  }
0xaf: {  	[dreg:$0x3] =	wrdreg s24  }
0xb0: {  	[dreg:$0x4] =	wrdreg $0x9  }
0xb1: {  	_ =	task.clear_ibuf [dreg:s7], $0x5FFFF;
	_ =	strace $0x90000046  }
0xb2: {  	s29 =	simm.s32 $0x9;
	_ =	strace $0x80000048  }
0xb3: {  	_ =	swait.ge [sflag:s29], $0x1  }
0xb4: {  	[sflag:s29] =	ssyncadd.s32 $0xFFFFFFFF  }
0xb5: {  	_ =	strace $0x90000048  }
0xb6: {  	_ =	sfence  }
0xb7: {  	s30 =	sld [smem:$0x0];
	_ =	sdelay $0x2  }
0xb8: {  	s31 =	sshll.u32 s1, $0xD;
	s1 =	sshrl.u32 s1, $0x2  }
0xb9: {  	s3 =	sand.u32 $0x4000, s31;
	s1 =	sadd.s32 s1, s30  }
0xba: {  	s0 =	sor.u32 s3, s0;
	s1 =	sshll.u32 s1, $0x11  }
0xbb: {  	s0 =	sor.u32 s1, s0  }
0xbc: {  	s0 =	sadd.s32 $0x8F2B, s0  }
0xbd: {  	[sflag:s0] =	ssyncadd.remote.s32 $0x1  }
0xbe: {  	_ =	sfence.sel $0xFFFF  }
0xbf: {  	[dreg:$0x0] =	wrdreg $0xFFFFFFFF;
	(pc) =	sbr.abs _section_cstart, $3  }
0xc0: {  	[dreg:$0x1] =	wrdreg $0xFFFFFFFF  }
0xc1: {  	_ =	task.clear_ibuf [dreg:s7], $0x2FFFF;
	_ =	strace $0x9FFFFFFF  }
0xc2: {  	(tm) =	ssettm $0x7FFFFFFF  }
0xc3: {  	_ =	shalt  }
tec
execute0_lowered:
.L_overlay_start_1:
0x0: {  	(tag) =	ssettag $0x1  }
0x1: {  	s2 =	rddreg [dreg:$0x0]  }
0x2: {  	s4 =	rddreg [dreg:$0x1]  }
0x3: {  	s0 =	rddreg [dreg:$0x2];
	s5 =	srdreg.scid  }
0x4: {  	s1 =	stileid.u32;
	s3 =	simm.s32 $0x0;
	s10 =	simm.s32 $0x1080  }
0x5: {  	s11 =	simm.s32 $0x1880;
	s12 =	simm.s32 $0x2080;
	s13 =	simm.s32 $0x2880  }
0x6: {  	s14 =	simm.s32 $0x3080;
	s15 =	simm.s32 $0x3880;
	s16 =	simm.s32 $0x4080  }
0x7: {  	s17 =	simm.s32 $0x4880;
	s18 =	simm.s32 $0x5080;
	s19 =	simm.s32 $0x5880  }
0x8: {  	s20 =	simm.s32 $0x6080;
	s21 =	simm.s32 $0x6880;
	s22 =	simm.s32 $0x7080  }
0x9: {  	s23 =	simm.s32 $0x7880;
	s24 =	simm.s32 $0x1;
	s6 =	smul.u32 $0x3000, s1  }
0xa: {  	s25 =	simm.s32 $0x0;
	s5 =	sand.u32 $0x1, s5;
	s8 =	smul.u32 $0x60000, s1  }
0xb: {  	[smem:$0x7FF] =	sst s3;
	s7 =	smul.u32 $0x1800, s5;
	s9 =	ssub.s32 $0x2, s5  }
0xc: {  	_ =	strace $0x80000047;
	s5 =	smul.u32 $0x30000, s5;
	s31 =	sshrl.u32 s9, $0x1  }
0xd: {  	s8 =	sadd.s32 s8, s4;
	s6 =	sadd.s32 s7, s6;
	s7 =	ssub.s32 s9, s31  }
0xe: {  	v2 =	vlaneseq.u32;
	s5 =	sadd.s32 s5, s8;
	s8 =	simm.s32 $0x80;
	s6 =	sshrl.u32 s6, $0x3  }
0xf: {  	vm0 =	vmmov $0xffff;
	v1 =	vshrl.u32 v2, $0x3;
	s9 =	simm.s32 $0x880;
	s5 =	sadd.s32 $0x8000, s5;
	s6 =	sadd.s32 s6, s4  }
0x10: {  	v0 =	vand.u32 $0x7, v2;
	v2 =	vor.u32 $0x8, v2;
	v1 =	vmul.u32 $0x8, v1;
	s4 =	smax.u32 s7, $0x1;
	s7 =	simm.s32 $0x2;
	s6 =	sadd.s32 $0x2000, s6  }
.LBB2_1:
0x11: {  	s26 =	smov.u32 s5;
	s28 =	simm.s32 $0x0  }
.LBB2_2:
0x12: {  	s29 =	sadd.s32 s28, s6  }
0x13: {  	[tilespmem:s3], [sflag:$0x2] =	stream.linear.gather [hbm4b:s29+s3], $0x80, $0x38;
	[tilespmem:$0x8080] =	vst v63  }
0x14: {  	_ =	swait.ge [sflag:s7], $0x80  }
0x15: {  	[sflag:s7] =	ssyncset.done $0x0  }
0x16: {  	[sflag:s7] =	ssyncadd.s32 $0xFFFFFF80  }
0x17: {  	v3 =	vld [tilespmem:$0x0];
	_ =	sdelay $0x4  }
0x18: {  	v4 =	vshll.u32 v3, $0x1  }
0x19: {  	v3 =	vand.u32 $0x7, v3;
	v4 =	vand.u32 $0xFFFFFFF0, v4  }
0x1a: {  	v3 =	vor.u32 v3, v4  }
0x1b: {  	v4 =	vperm.xlane v3, v0;
	_ =	sdelay $0x1  }
0x1c: {  	v3 =	vperm.xlane v3, v2;
	v4 =	vadd.s32 v1, v4;
	_ =	sdelay $0x1  }
0x1d: {  	v3 =	vadd.s32 v1, v3;
	_ =	sdelay $0x2  }
0x1e: {  	[tilespmem:s8], [sflag:$0x1] =	stream.indirect_vreg.gather [hbm4b:s2+s3], $0x80, v4, vm0, $0xb8;
	[tilespmem:$0x8080] =	vst v63  }
0x1f: {  	_ = 	snop  }
0x20: {  	[tilespmem:s9], [sflag:$0x1] =	stream.indirect_vreg.gather [hbm4b:s2+s3], $0x80, v3, vm0, $0xb8;
	[tilespmem:$0x8080] =	vst v63  }
0x21: {  	v3 =	vld [tilespmem:$0x10];
	_ =	sdelay $0x4  }
0x22: {  	v57 =	vshll.u32 v3, $0x1  }
0x23: {  	v3 =	vand.u32 $0x7, v3;
	v4 =	vand.u32 $0xFFFFFFF0, v57  }
0x24: {  	v3 =	vor.u32 v3, v4  }
0x25: {  	v4 =	vperm.xlane v3, v0;
	_ =	sdelay $0x1  }
0x26: {  	v3 =	vperm.xlane v3, v2;
	v4 =	vadd.s32 v1, v4;
	_ =	sdelay $0x1  }
0x27: {  	v3 =	vadd.s32 v1, v3;
	_ =	sdelay $0x2  }
0x28: {  	[tilespmem:s10], [sflag:$0x1] =	stream.indirect_vreg.gather [hbm4b:s2+s3], $0x80, v4, vm0, $0xb8;
	[tilespmem:$0x8080] =	vst v63  }
0x29: {  	_ = 	snop  }
0x2a: {  	[tilespmem:s11], [sflag:$0x1] =	stream.indirect_vreg.gather [hbm4b:s2+s3], $0x80, v3, vm0, $0xb8;
	[tilespmem:$0x8080] =	vst v63  }
0x2b: {  	v3 =	vld [tilespmem:$0x20];
	_ =	sdelay $0x4  }
0x2c: {  	v58 =	vshll.u32 v3, $0x1  }
0x2d: {  	v3 =	vand.u32 $0x7, v3;
	v4 =	vand.u32 $0xFFFFFFF0, v58  }
0x2e: {  	v3 =	vor.u32 v3, v4  }
0x2f: {  	v4 =	vperm.xlane v3, v0;
	_ =	sdelay $0x1  }
0x30: {  	v3 =	vperm.xlane v3, v2;
	v4 =	vadd.s32 v1, v4;
	_ =	sdelay $0x1  }
0x31: {  	v3 =	vadd.s32 v1, v3;
	_ =	sdelay $0x2  }
0x32: {  	[tilespmem:s12], [sflag:$0x1] =	stream.indirect_vreg.gather [hbm4b:s2+s3], $0x80, v4, vm0, $0xb8;
	[tilespmem:$0x8080] =	vst v63  }
0x33: {  	_ = 	snop  }
0x34: {  	[tilespmem:s13], [sflag:$0x1] =	stream.indirect_vreg.gather [hbm4b:s2+s3], $0x80, v3, vm0, $0xb8;
	[tilespmem:$0x8080] =	vst v63  }
0x35: {  	v3 =	vld [tilespmem:$0x30];
	_ =	sdelay $0x4  }
0x36: {  	v59 =	vshll.u32 v3, $0x1  }
0x37: {  	v3 =	vand.u32 $0x7, v3;
	v4 =	vand.u32 $0xFFFFFFF0, v59  }
0x38: {  	v3 =	vor.u32 v3, v4  }
0x39: {  	v4 =	vperm.xlane v3, v0;
	_ =	sdelay $0x1  }
0x3a: {  	v3 =	vperm.xlane v3, v2;
	v4 =	vadd.s32 v1, v4;
	_ =	sdelay $0x1  }
0x3b: {  	v3 =	vadd.s32 v1, v3;
	_ =	sdelay $0x2  }
0x3c: {  	[tilespmem:s14], [sflag:$0x1] =	stream.indirect_vreg.gather [hbm4b:s2+s3], $0x80, v4, vm0, $0xb8;
	[tilespmem:$0x8080] =	vst v63  }
0x3d: {  	_ = 	snop  }
0x3e: {  	[tilespmem:s15], [sflag:$0x1] =	stream.indirect_vreg.gather [hbm4b:s2+s3], $0x80, v3, vm0, $0xb8;
	[tilespmem:$0x8080] =	vst v63  }
0x3f: {  	v3 =	vld [tilespmem:$0x40];
	_ =	sdelay $0x4  }
0x40: {  	v60 =	vshll.u32 v3, $0x1  }
0x41: {  	v3 =	vand.u32 $0x7, v3;
	v4 =	vand.u32 $0xFFFFFFF0, v60  }
0x42: {  	v3 =	vor.u32 v3, v4  }
0x43: {  	v4 =	vperm.xlane v3, v0;
	_ =	sdelay $0x1  }
0x44: {  	v3 =	vperm.xlane v3, v2;
	v4 =	vadd.s32 v1, v4;
	_ =	sdelay $0x1  }
0x45: {  	v3 =	vadd.s32 v1, v3;
	_ =	sdelay $0x2  }
0x46: {  	[tilespmem:s16], [sflag:$0x1] =	stream.indirect_vreg.gather [hbm4b:s2+s3], $0x80, v4, vm0, $0xb8;
	[tilespmem:$0x8080] =	vst v63  }
0x47: {  	_ = 	snop  }
0x48: {  	[tilespmem:s17], [sflag:$0x1] =	stream.indirect_vreg.gather [hbm4b:s2+s3], $0x80, v3, vm0, $0xb8;
	[tilespmem:$0x8080] =	vst v63  }
0x49: {  	v3 =	vld [tilespmem:$0x50];
	_ =	sdelay $0x4  }
0x4a: {  	v61 =	vshll.u32 v3, $0x1  }
0x4b: {  	v3 =	vand.u32 $0x7, v3;
	v4 =	vand.u32 $0xFFFFFFF0, v61  }
0x4c: {  	v3 =	vor.u32 v3, v4  }
0x4d: {  	v4 =	vperm.xlane v3, v0;
	_ =	sdelay $0x1  }
0x4e: {  	v3 =	vperm.xlane v3, v2;
	v4 =	vadd.s32 v1, v4;
	_ =	sdelay $0x1  }
0x4f: {  	v3 =	vadd.s32 v1, v3;
	_ =	sdelay $0x2  }
0x50: {  	[tilespmem:s18], [sflag:$0x1] =	stream.indirect_vreg.gather [hbm4b:s2+s3], $0x80, v4, vm0, $0xb8;
	[tilespmem:$0x8080] =	vst v63  }
0x51: {  	_ = 	snop  }
0x52: {  	[tilespmem:s19], [sflag:$0x1] =	stream.indirect_vreg.gather [hbm4b:s2+s3], $0x80, v3, vm0, $0xb8;
	[tilespmem:$0x8080] =	vst v63  }
0x53: {  	v3 =	vld [tilespmem:$0x60];
	_ =	sdelay $0x4  }
0x54: {  	v62 =	vshll.u32 v3, $0x1  }
0x55: {  	v3 =	vand.u32 $0x7, v3;
	v4 =	vand.u32 $0xFFFFFFF0, v62  }
0x56: {  	v3 =	vor.u32 v3, v4  }
0x57: {  	v4 =	vperm.xlane v3, v0;
	_ =	sdelay $0x1  }
0x58: {  	v3 =	vperm.xlane v3, v2;
	v4 =	vadd.s32 v1, v4;
	_ =	sdelay $0x1  }
0x59: {  	v3 =	vadd.s32 v1, v3;
	_ =	sdelay $0x2  }
0x5a: {  	[tilespmem:s20], [sflag:$0x1] =	stream.indirect_vreg.gather [hbm4b:s2+s3], $0x80, v4, vm0, $0xb8;
	[tilespmem:$0x8080] =	vst v63  }
0x5b: {  	_ = 	snop  }
0x5c: {  	[tilespmem:s21], [sflag:$0x1] =	stream.indirect_vreg.gather [hbm4b:s2+s3], $0x80, v3, vm0, $0xb8;
	[tilespmem:$0x8080] =	vst v63  }
0x5d: {  	v3 =	vld [tilespmem:$0x70];
	_ =	sdelay $0x4  }
0x5e: {  	v63 =	vshll.u32 v3, $0x1  }
0x5f: {  	v3 =	vand.u32 $0x7, v3;
	v4 =	vand.u32 $0xFFFFFFF0, v63  }
0x60: {  	v3 =	vor.u32 v3, v4  }
0x61: {  	v4 =	vperm.xlane v3, v0;
	_ =	sdelay $0x1  }
0x62: {  	v3 =	vperm.xlane v3, v2;
	v4 =	vadd.s32 v1, v4;
	_ =	sdelay $0x1  }
0x63: {  	v3 =	vadd.s32 v1, v3;
	_ =	sdelay $0x2  }
0x64: {  	[tilespmem:s22], [sflag:$0x1] =	stream.indirect_vreg.gather [hbm4b:s2+s3], $0x80, v4, vm0, $0xb8;
	[tilespmem:$0x8080] =	vst v63  }
0x65: {  	_ = 	snop  }
0x66: {  	[tilespmem:s23], [sflag:$0x1] =	stream.indirect_vreg.gather [hbm4b:s2+s3], $0x80, v3, vm0, $0xb8;
	[tilespmem:$0x8080] =	vst v63  }
0x67: {  	_ =	swait.ge [sflag:s24], $0x8000  }
0x68: {  	p0 =	sne.s32 s28, $0x2F0;
	[sflag:s24] =	ssyncset.done $0x0  }
.Ltmp0:
0x69: {  	[sflag:s24] =	ssyncadd.s32 $0xFFFF8000;
	(pc) =	sbr.rel @p0 .LBB2_2-.Ltmp0, $4  }
0x6a: {  	[hbm4b:s26+s3] =	stream.linear.scatter [tilespmem:s8], [sflag:$0x2], $0x8000, $0x38;
	[tilespmem:$0x8080] =	vst v63  }
0x6b: {  	_ =	swait.ge [sflag:s7], $0x8000  }
0x6c: {  	[sflag:s7] =	ssyncset.done $0x0  }
0x6d: {  	s28 =	sadd.s32 $0x10, s28;
	s26 =	sadd.s32 $0x1000, s26;
	[sflag:s7] =	ssyncadd.s32 $0xFFFF8000  }
0x6e: {  	s25 =	sadd.s32 $0x1, s25  }
0x6f: {  	p0 =	sne.s32 s25, s4  }
.Ltmp1:
0x70: {  	_ = 	snop;
	(pc) =	sbr.rel @p0 .LBB2_1-.Ltmp1, $1  }
0x71: {  	_ =	sdelay $0x3  }
0x72: {  	_ =	sfence.sel $0x180000  }
0x73: {  	[bflag:$0x0] =	sbarrier.arrive $0xFFFF  }
0x74: {  	p0 =	sne.s32 s1, $0x0;
	_ =	strace $0x90000047  }
0x75: {  	s0 =	sadd.s32 @!p0 $0x100000, s0;
	[bflag:$0x2] =	sbarrier.arrive $0xFFFF  }
0x76: {  	[sflag:s0] =	ssyncadd.tile.s32 @!p0 $0x1;
	_ =	shalt  }
.Lfunc_end2:
_tile_overlayer_lowered:
.L_overlay_start_2:
0x77: {  	(tag) =	ssettag $0x2  }
0x78: {  	s0 =	rddreg [dreg:$0x0];
	s2 =	stileid.u32  }
0x79: {  	s1 =	rddreg [dreg:$0x1];
	p0 =	sne.s32 s2, $0x0  }
0x7a: {  	s3 =	rddreg [dreg:$0x2];
	[bflag:$0x3] =	sbarrier.arrive $0xFFFF;
	s2 =	simm.s32 @!p0 $0x1C02  }
0x7b: {  	[timem:s3], [sflag:s2] =	dma.local @!p0 [hbm:s0], s1  }
0x7c: {  	s0 =	simm.s32 @!p0 $0x2  }
0x7d: {  	_ =	swait.ge @!p0 [sflag:s0], s1  }
0x7e: {  	s1 =	ssub.s32 @!p0 $0x0, s1;
	[sflag:s0] =	ssyncset.done @!p0 $0x0  }
0x7f: {  	[sflag:s0] =	ssyncadd.s32 @!p0 s1  }
0x80: {  	[bflag:$0x3] =	sbarrier.arrive $0xFFFF  }
0x81: {  	_ =	shalt  }

</sc_bundles>
